<compile_context>
chip_gen: v7x
topology: tpu7x:2x2x1
jax: 0.10.2.dev20260603
libtpu: 0.0.44.dev20260713+nightly
codegen_flags: <defaults>
</compile_context>

<pallas_src>
import functools

import jax
import jax.numpy as jnp
from jax import lax
from jax.experimental import pallas as pl
from jax.experimental.pallas import tpu as pltpu
from jax.experimental.pallas import tpu_sc as plsc

_NUM_CORES = 1
_NUM_SUBCORES = 16
_LANES = 16
_NUM_WORKERS = _NUM_CORES * _NUM_SUBCORES


def _make_gather(B, V, D):
    b_per_w = B // _NUM_WORKERS
    mesh = plsc.VectorSubcoreMesh(
        core_axis_name="c",
        subcore_axis_name="s",
        num_cores=_NUM_CORES,
        num_subcores=_NUM_SUBCORES,
    )

    @functools.partial(
        pl.kernel,
        mesh=mesh,
        out_type=jax.ShapeDtypeStruct((B, D), jnp.float32),
        scratch_types=[
            pltpu.VMEM((b_per_w,), jnp.int32),
            pltpu.VMEM((b_per_w, D), jnp.float32),
            pltpu.SemaphoreType.DMA,
            pltpu.SemaphoreType.DMA,
            pltpu.SemaphoreType.DMA,
        ],
    )
    def gather_kernel(table_hbm, idx_hbm, out_hbm, idx_v, rows_v, g0s, g1s, sts):
        wid = lax.axis_index("s") * _NUM_CORES + lax.axis_index("c")
        base = wid * b_per_w
        pltpu.sync_copy(idx_hbm.at[pl.ds(base, b_per_w)], idx_v)
        for t in range(b_per_w // _LANES):
            seg = idx_v[pl.ds(t * _LANES, _LANES)]
            row = lax.iota(jnp.int32, _LANES) + (base + t * _LANES)
            idx_v[pl.ds(t * _LANES, _LANES)] = seg + row * V
        h = b_per_w // 2
        g0 = pltpu.async_copy(
            table_hbm.at[idx_v.at[pl.ds(0, h)]], rows_v.at[pl.ds(0, h)], g0s
        )
        g1 = pltpu.async_copy(
            table_hbm.at[idx_v.at[pl.ds(h, h)]], rows_v.at[pl.ds(h, h)], g1s
        )
        g0.wait()
        s0 = pltpu.async_copy(
            rows_v.at[pl.ds(0, h)], out_hbm.at[pl.ds(base, h)], sts
        )
        g1.wait()
        pltpu.sync_copy(rows_v.at[pl.ds(h, h)], out_hbm.at[pl.ds(base + h, h)])
        s0.wait()

    return gather_kernel


def kernel(embeddings, current_node):
    B, V, D = embeddings.shape
    table = embeddings.reshape(B * V, D)
    idx = current_node.reshape(B)
    out = _make_gather(B, V, D)(table, idx)
    return out.reshape(B, 1, D)

# --- scband reference (transcript-rebuilt; emitter-appended) ---
"""Pipeline reference for scband-env-context-69088843924254 (READ-ONLY COPY).

The authoritative reference and input builder live on the scoring server;
editing this copy changes nothing except your own understanding.
"""

import jax, jax.numpy as jnp
import numpy as np


def setup_inputs(seed: int = 0) -> dict:
    key = jax.random.key(seed)
    k1, k2 = jax.random.split(key)
    embeddings = jax.random.normal(k1, (1024, 1000, 128), dtype=jnp.float32)
    current_node = jax.random.randint(k2, (1024, 1), 0, 1000, dtype=jnp.int32)
    return {"embeddings": embeddings, "current_node": current_node}


def gather_by_index(source, index):
    # torch.gather(source, 1, index.unsqueeze(-1).expand(-1, -1, d))
    B, L = index.shape
    d = source.shape[-1]
    idx = jnp.broadcast_to(index[:, :, None], (B, L, d))
    return jnp.take_along_axis(source, idx, axis=1)


def reference(embeddings, current_node):
    # EnvContext._prev_node_embedding: gather the embedding of the current node
    # per batch instance. (_state_embedding is abstract in the base class, so
    # the executable forward path is the prev-node gather.)
    prev_node_embedding = gather_by_index(embeddings, current_node)
    return prev_node_embedding

if __name__ == "__main__":
    import jax
    _d = setup_inputs()
    print(jax.jit(kernel)(*tuple(_d.values())))

</pallas_src>

<mosaic_0001>
#map = affine_map<(d0, d1) -> (0, 0)>
#map1 = affine_map<(d0, d1) -> (0)>
module attributes {stable_mosaic.version = 14 : i64} {
  func.func @gather_kernel(%arg0: i32, %arg1: i32, %arg2: memref<1024000x128xf32, #tpu.memory_space<hbm>>, %arg3: memref<1024xi32, #tpu.memory_space<hbm>>, %arg4: memref<1024x128xf32, #tpu.memory_space<hbm>>, %arg5: memref<64xi32, #tpu.memory_space<vmem>>, %arg6: memref<64x128xf32, #tpu.memory_space<vmem>>, %arg7: memref<!tpu.dma_semaphore, #tpu.memory_space<semaphore_mem>>, %arg8: memref<!tpu.dma_semaphore, #tpu.memory_space<semaphore_mem>>, %arg9: memref<!tpu.dma_semaphore, #tpu.memory_space<semaphore_mem>>) attributes {dimension_semantics = [#tpu.dimension_semantics<core_parallel>, #tpu.dimension_semantics<subcore_parallel>], iteration_bounds = array<i64: 1, 16>, scalar_prefetch = 0 : i64, scratch_operands = 5 : i64, tpu.core_type = #tpu.core_type<sc_vector_subcore>, window_params = [{transform_indices = #map}, {transform_indices = #map1}, {transform_indices = #map}]} {
    %mul3A = arith.constant 1 : i32
    %mul3A_0 = arith.muli %arg1, %mul3A : i32
    %add3A = arith.addi %mul3A_0, %arg0 : i32
    %mul3A_1 = arith.constant 64 : i32
    %mul3A_2 = arith.muli %add3A, %mul3A_1 : i32
    "tpu.region"() ({
      %run_scoped3A = tpu.sem_alloc : memref<!tpu.dma_semaphore, #tpu.memory_space<semaphore_mem>>
      %dma_start3A_116 = tpu.memref_slice %arg3[%mul3A_2] : memref<1024xi32, #tpu.memory_space<hbm>> -> memref<64xi32, #tpu.memory_space<hbm>>
      %dma_start3A_117 = tpu.memref_slice %arg3[%mul3A_2] : memref<1024xi32, #tpu.memory_space<hbm>> -> memref<64xi32, #tpu.memory_space<hbm>>
      tpu.enqueue_dma source(%dma_start3A_117 : memref<64xi32, #tpu.memory_space<hbm>>) target(%arg5 : memref<64xi32, #tpu.memory_space<vmem>>) target_semaphore(%run_scoped3A : memref<!tpu.dma_semaphore, #tpu.memory_space<semaphore_mem>>)
      %dma_wait3A_118 = tpu.memref_slice %arg3[%mul3A_2] : memref<1024xi32, #tpu.memory_space<hbm>> -> memref<64xi32, #tpu.memory_space<hbm>>
      %dma_wait3A_119 = tpu.memref_slice %arg3[%mul3A_2] : memref<1024xi32, #tpu.memory_space<hbm>> -> memref<64xi32, #tpu.memory_space<hbm>>
      tpu.wait_dma2 semaphore(%run_scoped3A : memref<!tpu.dma_semaphore, #tpu.memory_space<semaphore_mem>>) src(%dma_wait3A_119 : memref<64xi32, #tpu.memory_space<hbm>>) dst(%arg5 : memref<64xi32, #tpu.memory_space<vmem>>)
      tpu.yield
    }) : () -> ()
    %get3A = arith.constant 0 : index
    %get3A_3 = tpu.vector_load %arg5[%get3A] {strides = array<i32>} : memref<64xi32, #tpu.memory_space<vmem>>, vector<16xi32>,
    %get3A_4 = vector.shape_cast %get3A_3 : vector<16xi32> to vector<16xi32>
    %iota3A = tpu.iota {dimensions = array<i32: 0>} : vector<16xi32>
    %add3A_5 = arith.constant 0 : i32
    %add3A_6 = arith.addi %mul3A_2, %add3A_5 : i32
    %add3A_7 = vector.broadcast %add3A_6 : i32 to vector<16xi32>
    %add3A_8 = arith.addi %iota3A, %add3A_7 : vector<16xi32>
    %mul3A_9 = arith.constant 1000 : i32
    %mul3A_10 = vector.broadcast %mul3A_9 : i32 to vector<16xi32>
    %mul3A_11 = arith.muli %add3A_8, %mul3A_10 : vector<16xi32>
    %add3A_12 = arith.addi %get3A_4, %mul3A_11 : vector<16xi32>
    %swap3A = arith.constant 0 : index
    %swap3A_13 = tpu.vector_load %arg5[%swap3A] {strides = array<i32>} : memref<64xi32, #tpu.memory_space<vmem>>, vector<16xi32>,
    %swap3A_14 = vector.shape_cast %swap3A_13 : vector<16xi32> to vector<16xi32>
    %swap3A_15 = vector.shape_cast %add3A_12 : vector<16xi32> to vector<16xi32>
    tpu.vector_store %arg5[%swap3A], %swap3A_15 {strides = array<i32>} : memref<64xi32, #tpu.memory_space<vmem>>, vector<16xi32>,
    %get3A_16 = arith.constant 16 : index
    %get3A_17 = tpu.vector_load %arg5[%get3A_16] {strides = array<i32>} : memref<64xi32, #tpu.memory_space<vmem>>, vector<16xi32>,
    %get3A_18 = vector.shape_cast %get3A_17 : vector<16xi32> to vector<16xi32>
    %iota3A_19 = tpu.iota {dimensions = array<i32: 0>} : vector<16xi32>
    %add3A_20 = arith.constant 16 : i32
    %add3A_21 = arith.addi %mul3A_2, %add3A_20 : i32
    %add3A_22 = vector.broadcast %add3A_21 : i32 to vector<16xi32>
    %add3A_23 = arith.addi %iota3A_19, %add3A_22 : vector<16xi32>
    %mul3A_24 = arith.constant 1000 : i32
    %mul3A_25 = vector.broadcast %mul3A_24 : i32 to vector<16xi32>
    %mul3A_26 = arith.muli %add3A_23, %mul3A_25 : vector<16xi32>
    %add3A_27 = arith.addi %get3A_18, %mul3A_26 : vector<16xi32>
    %swap3A_28 = arith.constant 16 : index
    %swap3A_29 = tpu.vector_load %arg5[%swap3A_28] {strides = array<i32>} : memref<64xi32, #tpu.memory_space<vmem>>, vector<16xi32>,
    %swap3A_30 = vector.shape_cast %swap3A_29 : vector<16xi32> to vector<16xi32>
    %swap3A_31 = vector.shape_cast %add3A_27 : vector<16xi32> to vector<16xi32>
    tpu.vector_store %arg5[%swap3A_28], %swap3A_31 {strides = array<i32>} : memref<64xi32, #tpu.memory_space<vmem>>, vector<16xi32>,
    %get3A_32 = arith.constant 32 : index
    %get3A_33 = tpu.vector_load %arg5[%get3A_32] {strides = array<i32>} : memref<64xi32, #tpu.memory_space<vmem>>, vector<16xi32>,
    %get3A_34 = vector.shape_cast %get3A_33 : vector<16xi32> to vector<16xi32>
    %iota3A_35 = tpu.iota {dimensions = array<i32: 0>} : vector<16xi32>
    %add3A_36 = arith.constant 32 : i32
    %add3A_37 = arith.addi %mul3A_2, %add3A_36 : i32
    %add3A_38 = vector.broadcast %add3A_37 : i32 to vector<16xi32>
    %add3A_39 = arith.addi %iota3A_35, %add3A_38 : vector<16xi32>
    %mul3A_40 = arith.constant 1000 : i32
    %mul3A_41 = vector.broadcast %mul3A_40 : i32 to vector<16xi32>
    %mul3A_42 = arith.muli %add3A_39, %mul3A_41 : vector<16xi32>
    %add3A_43 = arith.addi %get3A_34, %mul3A_42 : vector<16xi32>
    %swap3A_44 = arith.constant 32 : index
    %swap3A_45 = tpu.vector_load %arg5[%swap3A_44] {strides = array<i32>} : memref<64xi32, #tpu.memory_space<vmem>>, vector<16xi32>,
    %swap3A_46 = vector.shape_cast %swap3A_45 : vector<16xi32> to vector<16xi32>
    %swap3A_47 = vector.shape_cast %add3A_43 : vector<16xi32> to vector<16xi32>
    tpu.vector_store %arg5[%swap3A_44], %swap3A_47 {strides = array<i32>} : memref<64xi32, #tpu.memory_space<vmem>>, vector<16xi32>,
    %get3A_48 = arith.constant 48 : index
    %get3A_49 = tpu.vector_load %arg5[%get3A_48] {strides = array<i32>} : memref<64xi32, #tpu.memory_space<vmem>>, vector<16xi32>,
    %get3A_50 = vector.shape_cast %get3A_49 : vector<16xi32> to vector<16xi32>
    %iota3A_51 = tpu.iota {dimensions = array<i32: 0>} : vector<16xi32>
    %add3A_52 = arith.constant 48 : i32
    %add3A_53 = arith.addi %mul3A_2, %add3A_52 : i32
    %add3A_54 = vector.broadcast %add3A_53 : i32 to vector<16xi32>
    %add3A_55 = arith.addi %iota3A_51, %add3A_54 : vector<16xi32>
    %mul3A_56 = arith.constant 1000 : i32
    %mul3A_57 = vector.broadcast %mul3A_56 : i32 to vector<16xi32>
    %mul3A_58 = arith.muli %add3A_55, %mul3A_57 : vector<16xi32>
    %add3A_59 = arith.addi %get3A_50, %mul3A_58 : vector<16xi32>
    %swap3A_60 = arith.constant 48 : index
    %swap3A_61 = tpu.vector_load %arg5[%swap3A_60] {strides = array<i32>} : memref<64xi32, #tpu.memory_space<vmem>>, vector<16xi32>,
    %swap3A_62 = vector.shape_cast %swap3A_61 : vector<16xi32> to vector<16xi32>
    %swap3A_63 = vector.shape_cast %add3A_59 : vector<16xi32> to vector<16xi32>
    tpu.vector_store %arg5[%swap3A_60], %swap3A_63 {strides = array<i32>} : memref<64xi32, #tpu.memory_space<vmem>>, vector<16xi32>,
    %dma_start3A = arith.constant 0 : i32
    %dma_start3A_64 = arith.constant 0 : i32
    %dma_start3A_65 = tpu.memref_slice %arg6[%dma_start3A, %dma_start3A_64] : memref<64x128xf32, #tpu.memory_space<vmem>> -> memref<32x128xf32, #tpu.memory_space<vmem>>
    %dma_start3A_66 = arith.constant 0 : i32
    %dma_start3A_67 = tpu.memref_slice %arg5[%dma_start3A_66] : memref<64xi32, #tpu.memory_space<vmem>> -> memref<32xi32, #tpu.memory_space<vmem>>
    %dma_start3A_68 = arith.constant 0 : i32
    %dma_start3A_69 = arith.constant 0 : i32
    %dma_start3A_70 = tpu.memref_slice %arg2[%dma_start3A_68, %dma_start3A_69] : memref<1024000x128xf32, #tpu.memory_space<hbm>> -> memref<1024000x128xf32, #tpu.memory_space<hbm>>
    tpu.enqueue_indirect_dma source(%dma_start3A_70 : memref<1024000x128xf32, #tpu.memory_space<hbm>>) target(%dma_start3A_65 : memref<32x128xf32, #tpu.memory_space<vmem>>) offsets(%dma_start3A_67 : memref<32xi32, #tpu.memory_space<vmem>>) semaphore(%arg7 : memref<!tpu.dma_semaphore, #tpu.memory_space<semaphore_mem>>)
    %dma_start3A_71 = arith.constant 32 : i32
    %dma_start3A_72 = arith.constant 0 : i32
    %dma_start3A_73 = tpu.memref_slice %arg6[%dma_start3A_71, %dma_start3A_72] : memref<64x128xf32, #tpu.memory_space<vmem>> -> memref<32x128xf32, #tpu.memory_space<vmem>>
    %dma_start3A_74 = arith.constant 32 : i32
    %dma_start3A_75 = tpu.memref_slice %arg5[%dma_start3A_74] : memref<64xi32, #tpu.memory_space<vmem>> -> memref<32xi32, #tpu.memory_space<vmem>>
    %dma_start3A_76 = arith.constant 0 : i32
    %dma_start3A_77 = arith.constant 0 : i32
    %dma_start3A_78 = tpu.memref_slice %arg2[%dma_start3A_76, %dma_start3A_77] : memref<1024000x128xf32, #tpu.memory_space<hbm>> -> memref<1024000x128xf32, #tpu.memory_space<hbm>>
    tpu.enqueue_indirect_dma source(%dma_start3A_78 : memref<1024000x128xf32, #tpu.memory_space<hbm>>) target(%dma_start3A_73 : memref<32x128xf32, #tpu.memory_space<vmem>>) offsets(%dma_start3A_75 : memref<32xi32, #tpu.memory_space<vmem>>) semaphore(%arg8 : memref<!tpu.dma_semaphore, #tpu.memory_space<semaphore_mem>>)
    %dma_wait3A = arith.constant 0 : i32
    %dma_wait3A_79 = arith.constant 0 : i32
    %dma_wait3A_80 = tpu.memref_slice %arg6[%dma_wait3A, %dma_wait3A_79] : memref<64x128xf32, #tpu.memory_space<vmem>> -> memref<32x128xf32, #tpu.memory_space<vmem>>
    %dma_wait3A_81 = arith.constant 0 : i32
    %dma_wait3A_82 = tpu.memref_slice %arg5[%dma_wait3A_81] : memref<64xi32, #tpu.memory_space<vmem>> -> memref<32xi32, #tpu.memory_space<vmem>>
    %dma_wait3A_83 = arith.constant 0 : i32
    %dma_wait3A_84 = arith.constant 0 : i32
    %dma_wait3A_85 = tpu.memref_slice %arg2[%dma_wait3A_83, %dma_wait3A_84] : memref<1024000x128xf32, #tpu.memory_space<hbm>> -> memref<1024000x128xf32, #tpu.memory_space<hbm>>
    tpu.wait_indirect_dma semaphore(%arg7 : memref<!tpu.dma_semaphore, #tpu.memory_space<semaphore_mem>>) src(%dma_wait3A_85 : memref<1024000x128xf32, #tpu.memory_space<hbm>>) dst(%dma_wait3A_80 : memref<32x128xf32, #tpu.memory_space<vmem>>)
    %dma_start3A_86 = arith.constant 0 : i32
    %dma_start3A_87 = arith.constant 0 : i32
    %dma_start3A_88 = tpu.memref_slice %arg6[%dma_start3A_86, %dma_start3A_87] : memref<64x128xf32, #tpu.memory_space<vmem>> -> memref<32x128xf32, #tpu.memory_space<vmem>>
    %dma_start3A_89 = arith.constant 0 : i32
    %dma_start3A_90 = tpu.memref_slice %arg4[%mul3A_2, %dma_start3A_89] : memref<1024x128xf32, #tpu.memory_space<hbm>> -> memref<32x128xf32, #tpu.memory_space<hbm>>
    %dma_start3A_91 = arith.constant 0 : i32
    %dma_start3A_92 = tpu.memref_slice %arg4[%mul3A_2, %dma_start3A_91] : memref<1024x128xf32, #tpu.memory_space<hbm>> -> memref<32x128xf32, #tpu.memory_space<hbm>>
    %dma_start3A_93 = arith.constant 0 : i32
    %dma_start3A_94 = arith.constant 0 : i32
    %dma_start3A_95 = tpu.memref_slice %arg6[%dma_start3A_93, %dma_start3A_94] : memref<64x128xf32, #tpu.memory_space<vmem>> -> memref<32x128xf32, #tpu.memory_space<vmem>>
    tpu.enqueue_dma source(%dma_start3A_95 : memref<32x128xf32, #tpu.memory_space<vmem>>) target(%dma_start3A_92 : memref<32x128xf32, #tpu.memory_space<hbm>>) target_semaphore(%arg9 : memref<!tpu.dma_semaphore, #tpu.memory_space<semaphore_mem>>)
    %dma_wait3A_96 = arith.constant 32 : i32
    %dma_wait3A_97 = arith.constant 0 : i32
    %dma_wait3A_98 = tpu.memref_slice %arg6[%dma_wait3A_96, %dma_wait3A_97] : memref<64x128xf32, #tpu.memory_space<vmem>> -> memref<32x128xf32, #tpu.memory_space<vmem>>
    %dma_wait3A_99 = arith.constant 32 : i32
    %dma_wait3A_100 = tpu.memref_slice %arg5[%dma_wait3A_99] : memref<64xi32, #tpu.memory_space<vmem>> -> memref<32xi32, #tpu.memory_space<vmem>>
    %dma_wait3A_101 = arith.constant 0 : i32
    %dma_wait3A_102 = arith.constant 0 : i32
    %dma_wait3A_103 = tpu.memref_slice %arg2[%dma_wait3A_101, %dma_wait3A_102] : memref<1024000x128xf32, #tpu.memory_space<hbm>> -> memref<1024000x128xf32, #tpu.memory_space<hbm>>
    tpu.wait_indirect_dma semaphore(%arg8 : memref<!tpu.dma_semaphore, #tpu.memory_space<semaphore_mem>>) src(%dma_wait3A_103 : memref<1024000x128xf32, #tpu.memory_space<hbm>>) dst(%dma_wait3A_98 : memref<32x128xf32, #tpu.memory_space<vmem>>)
    %add3A_104 = arith.constant 32 : i32
    %add3A_105 = arith.addi %mul3A_2, %add3A_104 : i32
    "tpu.region"() ({
      %run_scoped3A = tpu.sem_alloc : memref<!tpu.dma_semaphore, #tpu.memory_space<semaphore_mem>>
      %dma_start3A_116 = arith.constant 32 : i32
      %dma_start3A_117 = arith.constant 0 : i32
      %dma_start3A_118 = tpu.memref_slice %arg6[%dma_start3A_116, %dma_start3A_117] : memref<64x128xf32, #tpu.memory_space<vmem>> -> memref<32x128xf32, #tpu.memory_space<vmem>>
      %dma_start3A_119 = arith.constant 0 : i32
      %dma_start3A_120 = tpu.memref_slice %arg4[%add3A_105, %dma_start3A_119] : memref<1024x128xf32, #tpu.memory_space<hbm>> -> memref<32x128xf32, #tpu.memory_space<hbm>>
      %dma_start3A_121 = arith.constant 0 : i32
      %dma_start3A_122 = tpu.memref_slice %arg4[%add3A_105, %dma_start3A_121] : memref<1024x128xf32, #tpu.memory_space<hbm>> -> memref<32x128xf32, #tpu.memory_space<hbm>>
      %dma_start3A_123 = arith.constant 32 : i32
      %dma_start3A_124 = arith.constant 0 : i32
      %dma_start3A_125 = tpu.memref_slice %arg6[%dma_start3A_123, %dma_start3A_124] : memref<64x128xf32, #tpu.memory_space<vmem>> -> memref<32x128xf32, #tpu.memory_space<vmem>>
      tpu.enqueue_dma source(%dma_start3A_125 : memref<32x128xf32, #tpu.memory_space<vmem>>) target(%dma_start3A_122 : memref<32x128xf32, #tpu.memory_space<hbm>>) target_semaphore(%run_scoped3A : memref<!tpu.dma_semaphore, #tpu.memory_space<semaphore_mem>>)
      %dma_wait3A_126 = arith.constant 32 : i32
      %dma_wait3A_127 = arith.constant 0 : i32
      %dma_wait3A_128 = tpu.memref_slice %arg6[%dma_wait3A_126, %dma_wait3A_127] : memref<64x128xf32, #tpu.memory_space<vmem>> -> memref<32x128xf32, #tpu.memory_space<vmem>>
      %dma_wait3A_129 = arith.constant 0 : i32
      %dma_wait3A_130 = tpu.memref_slice %arg4[%add3A_105, %dma_wait3A_129] : memref<1024x128xf32, #tpu.memory_space<hbm>> -> memref<32x128xf32, #tpu.memory_space<hbm>>
      %dma_wait3A_131 = arith.constant 0 : i32
      %dma_wait3A_132 = tpu.memref_slice %arg4[%add3A_105, %dma_wait3A_131] : memref<1024x128xf32, #tpu.memory_space<hbm>> -> memref<32x128xf32, #tpu.memory_space<hbm>>
      %dma_wait3A_133 = arith.constant 32 : i32
      %dma_wait3A_134 = arith.constant 0 : i32
      %dma_wait3A_135 = tpu.memref_slice %arg6[%dma_wait3A_133, %dma_wait3A_134] : memref<64x128xf32, #tpu.memory_space<vmem>> -> memref<32x128xf32, #tpu.memory_space<vmem>>
      tpu.wait_dma2 semaphore(%run_scoped3A : memref<!tpu.dma_semaphore, #tpu.memory_space<semaphore_mem>>) src(%dma_wait3A_135 : memref<32x128xf32, #tpu.memory_space<vmem>>) dst(%dma_wait3A_132 : memref<32x128xf32, #tpu.memory_space<hbm>>)
      tpu.yield
    }) : () -> ()
    %dma_wait3A_106 = arith.constant 0 : i32
    %dma_wait3A_107 = arith.constant 0 : i32
    %dma_wait3A_108 = tpu.memref_slice %arg6[%dma_wait3A_106, %dma_wait3A_107] : memref<64x128xf32, #tpu.memory_space<vmem>> -> memref<32x128xf32, #tpu.memory_space<vmem>>
    %dma_wait3A_109 = arith.constant 0 : i32
    %dma_wait3A_110 = tpu.memref_slice %arg4[%mul3A_2, %dma_wait3A_109] : memref<1024x128xf32, #tpu.memory_space<hbm>> -> memref<32x128xf32, #tpu.memory_space<hbm>>
    %dma_wait3A_111 = arith.constant 0 : i32
    %dma_wait3A_112 = tpu.memref_slice %arg4[%mul3A_2, %dma_wait3A_111] : memref<1024x128xf32, #tpu.memory_space<hbm>> -> memref<32x128xf32, #tpu.memory_space<hbm>>
    %dma_wait3A_113 = arith.constant 0 : i32
    %dma_wait3A_114 = arith.constant 0 : i32
    %dma_wait3A_115 = tpu.memref_slice %arg6[%dma_wait3A_113, %dma_wait3A_114] : memref<64x128xf32, #tpu.memory_space<vmem>> -> memref<32x128xf32, #tpu.memory_space<vmem>>
    tpu.wait_dma2 semaphore(%arg9 : memref<!tpu.dma_semaphore, #tpu.memory_space<semaphore_mem>>) src(%dma_wait3A_115 : memref<32x128xf32, #tpu.memory_space<vmem>>) dst(%dma_wait3A_112 : memref<32x128xf32, #tpu.memory_space<hbm>>)
    return
  }
}

</mosaic_0001>

<sc_bundles>
// kernel: kernel.3.cloned.1.call-start
scs
__scs_entry_jumppad:
0x0: {  	(pc) =	sbr.rel $0x88, $3  }
0x1: {  	(tag) =	ssettag $0x0;
	lr =	simm.s32 $0x1  }
0x2: {  	[smem:$0x3F9F] =	sst lr;
	_ =	strace $0xD0000000  }
0x3: {  	_ = 	snop  }
0x4: {  	_ = 	snop  }
0x5: {  	_ = 	snop  }
0x6: {  	_ = 	snop  }
0x7: {  	_ = 	snop  }
__scs_overlays_trampoline_lowered:
0x8: {  	[smem:$0x3FAE] =	sst s0  }
0x9: {  	[smem:$0x3FAF] =	sst s1  }
0xa: {  	[smem:$0x3FB0] =	sst s2  }
0xb: {  	[smem:$0x3FB1] =	sst s3  }
0xc: {  	[smem:$0x3FB2] =	sst s4  }
0xd: {  	[smem:$0x3FB3] =	sst s5  }
0xe: {  	[smem:$0x3FB4] =	sst s6  }
0xf: {  	[smem:$0x3FB5] =	sst s7  }
0x10: {  	[smem:$0x3FB6] =	sst s8  }
0x11: {  	[smem:$0x3FB7] =	sst s9;
	s0 =	simm.s32 @!p0 $0x0  }
0x12: {  	s1 =	sld [smem:$0x3F9D];
	s0 =	simm.s32 @p0 $0x1  }
0x13: {  	[smem:$0x3FB8] =	sst s0;
	s0 =	simm.s32 @!p1 $0x0  }
0x14: {  	s2 =	sld [smem:$0x3F9C];
	s0 =	simm.s32 @p1 $0x1  }
0x15: {  	[smem:$0x3FB9] =	sst s0;
	s0 =	simm.s32 @!p2 $0x0  }
0x16: {  	s3 =	sld [smem:$0x3FDB];
	s0 =	simm.s32 @p2 $0x1  }
0x17: {  	s4 =	simm.s32 $0x1BF5;
	[smem:$0x3FBB] =	sst s0  }
0x18: {  	s0 =	sld [smem:$0x3F9E];
	_ =	swait.ge [sflag:s4], $0x0  }
0x19: {  	s7 =	sld [smem:$0x3F9F]  }
0x1a: {  	s8 =	sadd.s32 $0xFFFFE003, lr  }
0x1b: {  	s9 =	sadd.s32 $0xFFFFFEF7, lr;
	s5 =	simm.s32 $0xFFFFFFFF;
	p2 =	slt.u32 s8, $0xFFFFF086  }
0x1c: {  	p1 =	slt.u32 s9, $0xF7A;
	s5 =	simm.s32 @!p2 $0x0  }
0x1d: {  	s5 =	simm.s32 @p1 $0x1;
	p0 =	seq.s32 s7, s2  }
0x1e: {  	s7 =	smul.u32 @!p0 $0xF7A, s2;
	p2 =	seq.s32 @!p0 s5, $0x0  }
0x1f: {  	s9 =	smul.u32 $0xF7A, s1;
	s8 =	simm.s32 @!p0 $0x1BF5;
	p2 =	por !p2, p0  }
0x20: {  	[sflag:s8] =	ssyncset.s32 @!p0 $0xFFFFF086;
	s6 =	sadd.s32 @!p0 s3, s7;
	s7 =	simm.s32 @!p0 $0x108  }
0x21: {  	s3 =	sadd.s32 s3, s9;
	s6 =	sadd.s32 @!p0 $0x88, s6;
	s7 =	simm.s32 @p2 $0x1082  }
0x22: {  	[simem:s7], [sflag:s8] =	dma.local @!p0 [hbm:s6], $0xF7A  }
0x23: {  	s9 =	sor.u32 $0xD0000000, s2;
	s6 =	simm.s32 $0x108;
	_ =	swait.ge @!p0 [sflag:s8], $0x0  }
0x24: {  	s3 =	sadd.s32 $0x88, s3;
	s6 =	simm.s32 @!p1 $0x1082;
	[sflag:s4] =	ssyncset.s32 $0xFFFFF086  }
0x25: {  	[simem:s6], [sflag:s4] =	dma.local [hbm:s3], $0xF7A  }
0x26: {  	[smem:$0x3F9F] =	sst s1;
	(tag) =	ssettag s2;
	_ =	strace s9  }
0x27: {  	s1 =	sld [smem:$0x3FAF]  }
0x28: {  	s2 =	sld [smem:$0x3FB0]  }
0x29: {  	s4 =	sld [smem:$0x3FB2]  }
0x2a: {  	p0 =	seq.s32 s5, $0x0;
	s5 =	sld [smem:$0x3FB3]  }
0x2b: {  	s6 =	sld [smem:$0x3FB4]  }
0x2c: {  	s7 =	sld [smem:$0x3FB5]  }
0x2d: {  	s3 =	simm.s32 $0x108;
	s8 =	sld [smem:$0x3FB6]  }
0x2e: {  	s3 =	simm.s32 @!p0 $0x1082;
	s9 =	sld [smem:$0x3FB7]  }
0x2f: {  	lr =	sadd.s32 s0, s3;
	s0 =	sld [smem:$0x3FAE]  }
0x30: {  	s3 =	sld [smem:$0x3FB1]  }
0x31: {  	[smem:$0x3FBA] =	sst s10  }
0x32: {  	s10 =	sld [smem:$0x3FB8];
	_ =	sdelay $0x3  }
0x33: {  	p0 =	seq.s32 s10, $0x1;
	s10 =	sld [smem:$0x3FBA];
	_ =	sdelay $0x3  }
0x34: {  	[smem:$0x3FBA] =	sst s10  }
0x35: {  	s10 =	sld [smem:$0x3FB9];
	_ =	sdelay $0x3  }
0x36: {  	p1 =	seq.s32 s10, $0x1;
	s10 =	sld [smem:$0x3FBA];
	_ =	sdelay $0x3  }
0x37: {  	[smem:$0x3FBA] =	sst s10  }
0x38: {  	s10 =	sld [smem:$0x3FBB]  }
0x39: {  	_ = 	snop;
	(pc) =	sbr.ind lr, $3  }
0x3a: {  	_ = 	snop  }
0x3b: {  	_ = 	snop  }
0x3c: {  	p2 =	seq.s32 s10, $0x1;
	s10 =	sld [smem:$0x3FBA]  }
0x3d: {  	_ =	shalt  }
0x3e: {  	_ =	shalt  }
0x3f: {  	_ =	shalt  }
0x40: {  	_ =	shalt  }
0x41: {  	_ =	shalt  }
0x42: {  	_ =	shalt  }
0x43: {  	_ =	shalt  }
0x44: {  	_ =	shalt  }
0x45: {  	_ =	shalt  }
0x46: {  	_ =	shalt  }
0x47: {  	_ =	shalt  }
0x48: {  	_ =	shalt  }
0x49: {  	_ =	shalt  }
0x4a: {  	_ =	shalt  }
0x4b: {  	_ =	shalt  }
0x4c: {  	_ =	shalt  }
0x4d: {  	_ =	shalt  }
0x4e: {  	_ =	shalt  }
0x4f: {  	_ =	shalt  }
0x50: {  	_ =	shalt  }
0x51: {  	_ =	shalt  }
0x52: {  	_ =	shalt  }
0x53: {  	_ =	shalt  }
0x54: {  	_ =	shalt  }
0x55: {  	_ =	shalt  }
0x56: {  	_ =	shalt  }
0x57: {  	_ =	shalt  }
0x58: {  	_ =	shalt  }
0x59: {  	_ =	shalt  }
0x5a: {  	_ =	shalt  }
0x5b: {  	_ =	shalt  }
0x5c: {  	_ =	shalt  }
0x5d: {  	_ =	shalt  }
0x5e: {  	_ =	shalt  }
0x5f: {  	_ =	shalt  }
0x60: {  	_ =	shalt  }
0x61: {  	_ =	shalt  }
0x62: {  	_ =	shalt  }
0x63: {  	_ =	shalt  }
0x64: {  	_ =	shalt  }
0x65: {  	_ =	shalt  }
0x66: {  	_ =	shalt  }
0x67: {  	_ =	shalt  }
0x68: {  	_ =	shalt  }
0x69: {  	_ =	shalt  }
0x6a: {  	_ =	shalt  }
0x6b: {  	_ =	shalt  }
0x6c: {  	_ =	shalt  }
0x6d: {  	_ =	shalt  }
0x6e: {  	_ =	shalt  }
0x6f: {  	_ =	shalt  }
0x70: {  	_ =	shalt  }
0x71: {  	_ =	shalt  }
0x72: {  	_ =	shalt  }
0x73: {  	_ =	shalt  }
0x74: {  	_ =	shalt  }
0x75: {  	_ =	shalt  }
0x76: {  	_ =	shalt  }
0x77: {  	_ =	shalt  }
0x78: {  	_ =	shalt  }
0x79: {  	_ =	shalt  }
0x7a: {  	_ =	shalt  }
0x7b: {  	_ =	shalt  }
0x7c: {  	_ =	shalt  }
0x7d: {  	_ =	shalt  }
0x7e: {  	_ =	shalt  }
0x7f: {  	_ =	shalt  }
0x80: {  	_ =	shalt  }
0x81: {  	_ =	shalt  }
0x82: {  	_ =	shalt  }
0x83: {  	_ =	shalt  }
0x84: {  	_ =	shalt  }
0x85: {  	_ =	shalt  }
0x86: {  	_ =	shalt  }
0x87: {  	_ =	shalt  }
.Lfunc_end0:
.L_simem_size_0:
called_computation_lowered:
.L_overlay_start_0:
0x88: {  	s0 =	sld [smem:$0x3FD9]  }
0x89: {  	s1 =	sld [smem:$0x3FFE];
	_ =	sdelay $0x3  }
0x8a: {  	s0 =	sadd.s32 s1, s0  }
0x8b: {  	[smem:$0x3FC6] =	sst s0  }
0x8c: {  	_ = 	snop  }
0x8d: {  	s0 =	sld [smem:$0x3FC9]  }
0x8e: {  	s17 =	sld [smem:$0x3FC8]  }
0x8f: {  	s2 =	sld [smem:$0x3FD0];
	(tm) =	ssettm $0x1  }
0x90: {  	s3 =	sld [smem:$0x3FFB];
	_ =	sdelay $0x3  }
0x91: {  	_ =	strace s3  }
0x92: {  	s3 =	sld [smem:$0x3FFC];
	_ =	sdelay $0x3  }
0x93: {  	_ =	strace s3  }
0x94: {  	s3 =	sld [smem:$0x3FFD];
	_ =	sdelay $0x3  }
0x95: {  	_ =	strace s3  }
0x96: {  	_ =	strace $0x8FFFFFFF  }
0x97: {  	s18 =	sld [smem:$0x3FDB];
	_ =	sdelay $0x1  }
0x98: {  	s4 =	simm.s32 $_scs_section_size  }
0x99: {  	s5 =	simm.s32 $_size__tile_overlayer_lowered;
	s6 =	simm.s32 $_tile_overlayer_lowered  }
0x9a: {  	s21 =	simm.s32 $0x1BFF;
	s20 =	sshll.u32 s6, $0x1;
	s3 =	sadd.s32 s4, s18  }
0x9b: {  	s7 =	simm.s32 $0x0;
	s19 =	sshll.u32 s5, $0x1;
	s5 =	sadd.s32 s20, s3  }
0x9c: {  	[timem:s7], [sflag:s21] =	dma.local [hbm:s5], s19  }
0x9d: {  	_ =	swait.ge [sflag:s21], s19  }
0x9e: {  	s4 =	ssub.s32 $0x0, s19;
	[sflag:s21] =	ssyncset.done $0x0  }
0x9f: {  	[sflag:s21] =	ssyncadd.s32 s4;
	_ =	sdelay $0x1  }
0xa0: {  	s22 =	simm.s32 $0x1B8B  }
0xa1: {  	_ =	swait.ge [sflag:s22], $0x1  }
0xa2: {  	[sflag:s22] =	ssyncset.done $0x0  }
0xa3: {  	s23 =	simm.s32 $0x1B8E;
	[sflag:s22] =	ssyncadd.s32 $0xFFFFFFFF  }
0xa4: {  	s24 =	simm.s32 $execute0_lowered;
	[smem:$0x3FD2] =	sst s23  }
0xa5: {  	s4 =	sshll.u32 s24, $0x1;
	_ =	strace $0x80000046;
	[dreg:$0x1] =	wrdreg $0xFFFFFFFF  }
0xa6: {  	s25 =	simm.s32 $_size_execute0_lowered;
	s3 =	sadd.s32 s3, s4;
	[dreg:$0x0] =	wrdreg $0x0  }
0xa7: {  	s4 =	sshll.u32 s25, $0x1;
	[dreg:$0x2] =	wrdreg s3  }
0xa8: {  	[dreg:$0x3] =	wrdreg s4  }
0xa9: {  	[dreg:$0x4] =	wrdreg $0xC0  }
0xaa: {  	_ =	task [dreg:s7], $0x5FFFF  }
0xab: {  	[dreg:$0x1] =	wrdreg $0xFFFFFFFF  }
0xac: {  	[dreg:$0x0] =	wrdreg $0x60  }
0xad: {  	[dreg:$0x2] =	wrdreg s0  }
0xae: {  	[dreg:$0x3] =	wrdreg s17  }
0xaf: {  	[dreg:$0x4] =	wrdreg s2  }
0xb0: {  	[dreg:$0x5] =	wrdreg $0x9  }
0xb1: {  	_ =	task.clear_ibuf [dreg:s7], $0x6FFFF;
	_ =	strace $0x90000046  }
0xb2: {  	s26 =	simm.s32 $0x9;
	_ =	strace $0x80000048  }
0xb3: {  	_ =	swait.ge [sflag:s26], $0x1  }
0xb4: {  	[sflag:s26] =	ssyncadd.s32 $0xFFFFFFFF  }
0xb5: {  	_ =	strace $0x90000048  }
0xb6: {  	_ =	sfence  }
0xb7: {  	s28 =	sld [smem:$0x0];
	_ =	sdelay $0x1  }
0xb8: {  	s29 =	srdreg.scid  }
0xb9: {  	s30 =	sshll.u32 s29, $0xD;
	s31 =	sshrl.u32 s29, $0x2  }
0xba: {  	s1 =	sand.u32 $0x1, s29;
	s2 =	sand.u32 $0x4000, s30;
	s0 =	sadd.s32 s31, s28  }
0xbb: {  	s1 =	sor.u32 s2, s1;
	s0 =	sshll.u32 s0, $0x11  }
0xbc: {  	s0 =	sor.u32 s0, s1  }
0xbd: {  	s0 =	sadd.s32 $0x8F2B, s0  }
0xbe: {  	[sflag:s0] =	ssyncadd.remote.s32 $0x1  }
0xbf: {  	_ =	sfence.sel $0xFFFF  }
0xc0: {  	[dreg:$0x0] =	wrdreg $0xFFFFFFFF;
	(pc) =	sbr.abs _section_cstart, $3  }
0xc1: {  	[dreg:$0x1] =	wrdreg $0xFFFFFFFF  }
0xc2: {  	_ =	task.clear_ibuf [dreg:s7], $0x2FFFF;
	_ =	strace $0x9FFFFFFF  }
0xc3: {  	(tm) =	ssettm $0x7FFFFFFF  }
tec
execute0_lowered:
.L_overlay_start_1:
0x0: {  	(tag) =	ssettag $0x1  }
0x1: {  	s4 =	rddreg [dreg:$0x0]  }
0x2: {  	s5 =	rddreg [dreg:$0x1]  }
0x3: {  	s2 =	rddreg [dreg:$0x2]  }
0x4: {  	s0 =	rddreg [dreg:$0x3];
	s3 =	simm.s32 $0x0;
	s1 =	stileid.u32  }
0x5: {  	[smem:$0x7FF] =	sst s3;
	s6 =	sshll.u32 s1, $0x3  }
0x6: {  	s22 =	simm.s32 $0x4;
	_ =	strace $0x80000047;
	s5 =	sadd.s32 s5, s6  }
0x7: {  	[tilespmem:s3], [sflag:$0x4] =	stream.linear.gather [hbm4b:s5+s3], $0x40, $0x38;
	[tilespmem:$0x2080] =	vst v63  }
0x8: {  	_ =	swait.ge [sflag:s22], $0x40  }
0x9: {  	[sflag:s22] =	ssyncset.done $0x0  }
0xa: {  	s23 =	sshll.u32 s1, $0x6;
	[sflag:s22] =	ssyncadd.s32 $0xFFFFFFC0  }
0xb: {  	v0 =	vmov s23;
	s7 =	sor.u32 $0x10, s23;
	v1 =	vld [tilespmem:$0x0]  }
0xc: {  	s6 =	sor.u32 $0x30, s23;
	v0 =	vmul.u32 $0x3E8, v0;
	v2 =	vmov s7;
	v3 =	vld [tilespmem:$0x10]  }
0xd: {  	v6 =	vlaneseq.u32;
	s24 =	sor.u32 $0x20, s23;
	v7 =	vmov s6;
	v2 =	vmul.u32 $0x3E8, v2;
	v8 =	vld [tilespmem:$0x30]  }
0xe: {  	v4 =	vmov s24;
	v7 =	vmul.u32 $0x3E8, v7;
	v0 =	vbroadcast v0, $0x0;
	v5 =	vld [tilespmem:$0x20]  }
0xf: {  	v6 =	vmul.u32 $0x3E8, v6;
	v4 =	vmul.u32 $0x3E8, v4;
	v2 =	vbroadcast v2, $0x0  }
0x10: {  	v59 =	vbroadcast v7, $0x0;
	v0 =	vadd.s32 v1, v0  }
0x11: {  	v58 =	vbroadcast v4, $0x0;
	v2 =	vadd.s32 v3, v2;
	v0 =	vadd.s32 v6, v0  }
0x12: {  	v62 =	vadd.s32 v8, v59;
	v61 =	vadd.s32 v6, v2;
	[tilespmem:$0x0] =	vst v0  }
0x13: {  	v60 =	vadd.s32 v5, v58;
	v63 =	vadd.s32 v6, v62;
	[tilespmem:$0x10] =	vst v61  }
0x14: {  	v0 =	vadd.s32 v6, v60;
	[tilespmem:$0x30] =	vst v63  }
0x15: {  	s25 =	simm.s32 $0x20;
	s8 =	simm.s32 $0x80;
	[tilespmem:$0x20] =	vst v0  }
0x16: {  	[tilespmem:s8], [sflag:$0x1] =	stream.indirect.gather [hbm4b:s4+s25], $0x80, s3, s25, $0xb8;
	[tilespmem:$0x2080] =	vst v63  }
0x17: {  	s9 =	simm.s32 $0x1080;
	s26 =	simm.s32 $0x1  }
0x18: {  	[tilespmem:s9], [sflag:$0x2] =	stream.indirect.gather [hbm4b:s4+s25], $0x80, s25, s25, $0xb8;
	[tilespmem:$0x2080] =	vst v63  }
0x19: {  	_ =	swait.ge [sflag:s26], $0x1000  }
0x1a: {  	s28 =	sshll.u32 s1, $0xA;
	[sflag:s26] =	ssyncset.done $0x0  }
0x1b: {  	s29 =	simm.s32 $0x2;
	s6 =	sadd.s32 s2, s28;
	[sflag:s26] =	ssyncadd.s32 $0xFFFFF000  }
0x1c: {  	[hbm4b:s6+s3] =	stream.linear.scatter [tilespmem:s8], [sflag:$0x3], $0x1000, $0x38;
	[tilespmem:$0x2080] =	vst v63  }
0x1d: {  	_ =	swait.ge [sflag:s29], $0x1000  }
0x1e: {  	s30 =	sshll.u32 s24, $0x4;
	[sflag:s29] =	ssyncset.done $0x0  }
0x1f: {  	s2 =	sadd.s32 s2, s30;
	[sflag:s29] =	ssyncadd.s32 $0xFFFFF000  }
0x20: {  	[hbm4b:s2+s3] =	stream.linear.scatter [tilespmem:s9], [sflag:$0x4], $0x1000, $0x38;
	[tilespmem:$0x2080] =	vst v63  }
0x21: {  	_ =	swait.ge [sflag:s22], $0x1000  }
0x22: {  	[sflag:s22] =	ssyncset.done $0x0  }
0x23: {  	s31 =	simm.s32 $0x3;
	[sflag:s22] =	ssyncadd.s32 $0xFFFFF000  }
0x24: {  	_ =	swait.ge [sflag:s31], $0x1000  }
0x25: {  	[sflag:s31] =	ssyncset.done $0x0  }
0x26: {  	[sflag:s31] =	ssyncadd.s32 $0xFFFFF000  }
0x27: {  	_ =	sfence.sel $0x180000  }
0x28: {  	[bflag:$0x0] =	sbarrier.arrive $0xFFFF  }
0x29: {  	p0 =	sne.s32 s1, $0x0;
	_ =	strace $0x90000047  }
0x2a: {  	s0 =	sadd.s32 @!p0 $0x100000, s0;
	[bflag:$0x2] =	sbarrier.arrive $0xFFFF  }
0x2b: {  	[sflag:s0] =	ssyncadd.tile.s32 @!p0 $0x1;
	_ =	shalt  }
.Lfunc_end2:
_tile_overlayer_lowered:
.L_overlay_start_2:
0x2c: {  	(tag) =	ssettag $0x2  }
0x2d: {  	s0 =	rddreg [dreg:$0x0];
	s2 =	stileid.u32  }
0x2e: {  	s1 =	rddreg [dreg:$0x1];
	p0 =	sne.s32 s2, $0x0  }
0x2f: {  	s3 =	rddreg [dreg:$0x2];
	[bflag:$0x3] =	sbarrier.arrive $0xFFFF;
	s2 =	simm.s32 @!p0 $0x1C04  }
0x30: {  	[timem:s3], [sflag:s2] =	dma.local @!p0 [hbm:s0], s1  }
0x31: {  	s0 =	simm.s32 @!p0 $0x4  }
0x32: {  	_ =	swait.ge @!p0 [sflag:s0], s1  }
0x33: {  	s1 =	ssub.s32 @!p0 $0x0, s1;
	[sflag:s0] =	ssyncset.done @!p0 $0x0  }
0x34: {  	[sflag:s0] =	ssyncadd.s32 @!p0 s1  }
0x35: {  	[bflag:$0x3] =	sbarrier.arrive $0xFFFF  }
0x36: {  	_ =	shalt  }

</sc_bundles>
